<compile_context>
chip_gen: v7x
topology: tpu7x:2x2x1
jax: 0.10.2.dev20260603
libtpu: 0.0.44.dev20260713+nightly
codegen_flags: <defaults>
</compile_context>

<pallas_src>
import dataclasses

import jax
import jax.numpy as jnp
from jax import lax
from jax.experimental import pallas as pl
from jax.experimental.pallas import tpu as pltpu
from jax.experimental.pallas import tpu_sc as plsc

_N = 1000
_NP = 1024
_E = 1200
_DIN = 128
_H = 256
_L = 128

_NC = 2
_NS = 16
_EC = 48
_NT = _E // _EC

_f32 = jnp.float32
_bf16 = jnp.bfloat16


def _tc_body(x_ref, src_row_ref, dst_row_ref,
             W_enc_ref, b_enc_ref, W_g1_ref, b_g1_ref, W_g2_ref, b_g2_ref,
             w_head_ref, b_sw_ref, b_v_ref,
             ssrc_ref, sdst_ref, vw_ref):
    dst_row = dst_row_ref[...]
    src_row = src_row_ref[...]

    ioNE = lax.broadcasted_iota(jnp.int32, (_N, _E), 0)
    ohT_dst_f = (ioNE == dst_row).astype(_f32)
    ohT_dst = ohT_dst_f.astype(_bf16)
    ohT_src = (ioNE == src_row).astype(_f32).astype(_bf16)

    deg = jnp.sum(ohT_dst_f, axis=1, keepdims=True) + 1.0
    dinv = lax.rsqrt(jnp.maximum(deg, 1.0))

    M = lax.dot_general(ohT_dst, ohT_src, (((1,), (1,)), ((), ())),
                        preferred_element_type=_f32)

    def conv(t):
        g = dinv * t
        agg = jnp.dot(M, g, preferred_element_type=_f32)
        return dinv * (agg + g)

    x = x_ref[...]
    h0 = jax.nn.relu(jnp.dot(x, W_enc_ref[...], preferred_element_type=_f32)
                     + b_enc_ref[...])
    t1 = jnp.dot(h0, W_g1_ref[...], preferred_element_type=_f32)
    h1 = jax.nn.relu(conv(t1) + b_g1_ref[...])
    t2 = jnp.dot(h1, W_g2_ref[...], preferred_element_type=_f32)
    h2 = jax.nn.relu(conv(t2) + b_g2_ref[...])

    sv = jnp.dot(h2, w_head_ref[...], preferred_element_type=_f32)
    pad = jnp.zeros((_NP - _N, 1), _f32)
    ssrc_ref[...] = jnp.concatenate([sv[:, 0:1] + b_sw_ref[...], pad], axis=0)
    sdst_ref[...] = jnp.concatenate([sv[:, 1:2], pad], axis=0)

    vr = jax.nn.sigmoid(sv[:, 2:3] + b_v_ref[...])
    vw_ref[...] = (0.9 + 0.2 * vr) ** 2


def _sc_head_body(ssrc_hbm, sdst_hbm, srcp_hbm, dstp_hbm, yw_hbm,
                  ssrc_v, sdst_v, sidx_v, didx_v, out_v, sem):
    c = lax.axis_index("c")
    s = lax.axis_index("s")
    wid = c * _NS + s

    @pl.when(wid < _NT)
    def _():
        base = wid * _EC
        c1 = pltpu.async_copy(ssrc_hbm, ssrc_v, sem)
        c2 = pltpu.async_copy(sdst_hbm, sdst_v, sem)
        c3 = pltpu.async_copy(srcp_hbm.at[pl.ds(base, _EC)], sidx_v, sem)
        c4 = pltpu.async_copy(dstp_hbm.at[pl.ds(base, _EC)], didx_v, sem)
        c1.wait()
        c2.wait()
        c3.wait()
        c4.wait()
        for j in range(_EC // 16):
            si = sidx_v[pl.ds(j * 16, 16)]
            di = didx_v[pl.ds(j * 16, 16)]
            a = plsc.load_gather(ssrc_v, [si])
            d = plsc.load_gather(sdst_v, [di])
            z = a + d
            out_v[pl.ds(j * 16, 16)] = 1.0 / (1.0 + jnp.exp(-z))
        pltpu.sync_copy(out_v, yw_hbm.at[pl.ds(base, _EC)])


def _sc_head(ssrc, sdst, src_pad, dst_pad):
    mesh = plsc.VectorSubcoreMesh(core_axis_name="c", subcore_axis_name="s")
    cp = pltpu.CompilerParams()
    if "needs_layout_passes" in pltpu.CompilerParams.__dataclass_fields__:
        cp = dataclasses.replace(cp, needs_layout_passes=False)
    kfn = pl.kernel(
        _sc_head_body,
        compiler_params=cp,
        out_type=jax.ShapeDtypeStruct((_E,), _f32),
        mesh=mesh,
        scratch_types=[
            pltpu.VMEM((_NP,), _f32),
            pltpu.VMEM((_NP,), _f32),
            pltpu.VMEM((_EC,), jnp.int32),
            pltpu.VMEM((_EC,), jnp.int32),
            pltpu.VMEM((_EC,), _f32),
            pltpu.SemaphoreType.DMA,
        ],
    )
    return kfn(ssrc, sdst, src_pad, dst_pad)


def kernel(x, edge_index, W_enc, b_enc, W_g1, b_g1, W_g2, b_g2, W_sw, b_sw,
           W_v, b_v, cvx_p_inj, cvx_q_inj, cvx_y0, cvx_r_pu, cvx_x_pu,
           cvx_bigM_flow, cvx_bigM_v, cvx_A_from, cvx_A_to, cvx_sub_mask,
           cvx_non_sub_mask, cvx_bigM_flow_sq, cvx_z_line_sq):
    src = edge_index[0]
    dst = edge_index[1]
    ssrc, sdst, vw = pl.pallas_call(
        _tc_body,
        out_shape=[
            jax.ShapeDtypeStruct((_NP, 1), _f32),
            jax.ShapeDtypeStruct((_NP, 1), _f32),
            jax.ShapeDtypeStruct((_N, 1), _f32),
        ],
    )(x, src.reshape(1, _E), dst.reshape(1, _E),
      W_enc, b_enc.reshape(1, _H),
      W_g1, b_g1.reshape(1, _H),
      W_g2, b_g2.reshape(1, _L),
      jnp.concatenate([W_sw[:_L], W_sw[_L:], W_v], axis=1),
      b_sw.reshape(1, 1), b_v.reshape(1, 1))

    yw = _sc_head(ssrc.reshape(_NP), sdst.reshape(_NP), src, dst)
    return yw, vw[:, 0]

# --- scband reference (transcript-rebuilt; emitter-appended) ---
"""Pipeline reference for scband-cvx-83554293776947 (READ-ONLY COPY).

The authoritative reference and input builder live on the scoring server;
editing this copy changes nothing except your own understanding.
"""

import jax, jax.numpy as jnp
import numpy as np

MAX_N = 1000
MAX_E = 1200
D_IN = 128
H = 256
L = 128


def _gcn_conv(x, src, dst, W, b):
    # GCNConv with self-loops and symmetric normalization (PyG default)
    N = x.shape[0]
    h = x @ W
    loop = jnp.arange(N, dtype=src.dtype)
    si = jnp.concatenate([src, loop])
    di = jnp.concatenate([dst, loop])
    deg = jnp.zeros((N,), dtype=h.dtype).at[di].add(1.0)
    dinv = 1.0 / jnp.sqrt(jnp.maximum(deg, 1.0))
    norm = (dinv[si] * dinv[di])[:, None]
    out = jnp.zeros_like(h).at[di].add(h[si] * norm)
    return out + b


def setup_inputs(seed: int = 0):
    key = jax.random.key(seed)
    ks = jax.random.split(key, 24)

    def w(k, shape, fan_in):
        return (jax.random.normal(k, shape, jnp.float32) / np.sqrt(fan_in)).astype(jnp.float32)

    inp = {}
    inp["x"] = jax.random.normal(ks[0], (MAX_N, D_IN), jnp.float32)
    inp["edge_index"] = jax.random.randint(ks[1], (2, MAX_E), 0, MAX_N, dtype=jnp.int32)
    inp["W_enc"] = w(ks[2], (D_IN, H), D_IN)
    inp["b_enc"] = jnp.zeros((H,), jnp.float32)
    inp["W_g1"] = w(ks[3], (H, H), H)
    inp["b_g1"] = jnp.zeros((H,), jnp.float32)
    inp["W_g2"] = w(ks[4], (H, L), H)
    inp["b_g2"] = jnp.zeros((L,), jnp.float32)
    inp["W_sw"] = w(ks[5], (2 * L, 1), 2 * L)
    inp["b_sw"] = jnp.zeros((1,), jnp.float32)
    inp["W_v"] = w(ks[6], (L, 1), L)
    inp["b_v"] = jnp.zeros((1,), jnp.float32)
    inp["cvx_p_inj"] = jax.random.normal(ks[7], (MAX_N,), jnp.float32)
    inp["cvx_q_inj"] = jax.random.normal(ks[8], (MAX_N,), jnp.float32)
    inp["cvx_y0"] = jax.random.uniform(ks[9], (MAX_E,), jnp.float32)
    inp["cvx_r_pu"] = jax.random.uniform(ks[10], (MAX_E,), jnp.float32)
    inp["cvx_x_pu"] = jax.random.uniform(ks[11], (MAX_E,), jnp.float32)
    inp["cvx_bigM_flow"] = jnp.ones((MAX_E,), jnp.float32)
    inp["cvx_bigM_v"] = jnp.ones((), jnp.float32)
    inp["cvx_A_from"] = jax.random.uniform(ks[12], (MAX_E, MAX_N), jnp.float32)
    inp["cvx_A_to"] = jax.random.uniform(ks[13], (MAX_E, MAX_N), jnp.float32)
    inp["cvx_sub_mask"] = jnp.zeros((MAX_N,), jnp.float32)
    inp["cvx_non_sub_mask"] = jnp.ones((MAX_N,), jnp.float32)
    inp["cvx_bigM_flow_sq"] = jnp.ones((MAX_E,), jnp.float32)
    inp["cvx_z_line_sq"] = jax.random.uniform(ks[14], (MAX_E,), jnp.float32)
    return inp


def reference(x, edge_index, W_enc, b_enc, W_g1, b_g1, W_g2, b_g2, W_sw, b_sw, W_v, b_v,
              cvx_p_inj, cvx_q_inj, cvx_y0, cvx_r_pu, cvx_x_pu, cvx_bigM_flow, cvx_bigM_v,
              cvx_A_from, cvx_A_to, cvx_sub_mask, cvx_non_sub_mask, cvx_bigM_flow_sq,
              cvx_z_line_sq):
    # Neural (GNN) part of the module. The trailing CvxpyLayer (SCS-solved SOCP)
    # is not expressible in pure jnp; its inputs are the warm starts yw, vw
    # produced here, which are also returned by the torch module as
    # 'switch_predictions' / 'voltage_predictions'.
    src = edge_index[0]
    dst = edge_index[1]
    h = jax.nn.relu(x @ W_enc + b_enc)
    h = jax.nn.relu(_gcn_conv(h, src, dst, W_g1, b_g1))
    h = jax.nn.relu(_gcn_conv(h, src, dst, W_g2, b_g2))
    emb = jnp.concatenate([h[src], h[dst]], axis=1)
    yw = jax.nn.sigmoid(emb @ W_sw + b_sw)[:, 0]
    vr = jax.nn.sigmoid(h @ W_v + b_v)[:, 0]
    vw = (0.9 + (1.1 - 0.9) * vr) ** 2
    return yw, vw

if __name__ == "__main__":
    import jax
    _d = setup_inputs()
    print(jax.jit(kernel)(*tuple(_d.values())))

</pallas_src>

<mosaic_0001>
#map = affine_map<(d0, d1) -> (0)>
module attributes {stable_mosaic.version = 14 : i64} {
  func.func @_sc_head_body(%arg0: i32, %arg1: i32, %arg2: memref<1024xf32, #tpu.memory_space<hbm>>, %arg3: memref<1024xf32, #tpu.memory_space<hbm>>, %arg4: memref<1200xi32, #tpu.memory_space<hbm>>, %arg5: memref<1200xi32, #tpu.memory_space<hbm>>, %arg6: memref<1200xf32, #tpu.memory_space<hbm>>, %arg7: memref<1024xf32, #tpu.memory_space<vmem>>, %arg8: memref<1024xf32, #tpu.memory_space<vmem>>, %arg9: memref<48xi32, #tpu.memory_space<vmem>>, %arg10: memref<48xi32, #tpu.memory_space<vmem>>, %arg11: memref<48xf32, #tpu.memory_space<vmem>>, %arg12: memref<!tpu.dma_semaphore, #tpu.memory_space<semaphore_mem>>) attributes {dimension_semantics = [#tpu.dimension_semantics<core_parallel>, #tpu.dimension_semantics<subcore_parallel>], iteration_bounds = array<i64: 2, 16>, scalar_prefetch = 0 : i64, scratch_operands = 6 : i64, tpu.core_type = #tpu.core_type<sc_vector_subcore>, window_params = [{transform_indices = #map}, {transform_indices = #map}, {transform_indices = #map}, {transform_indices = #map}, {transform_indices = #map}]} {
    %mul3A = arith.constant 16 : i32
    %mul3A_0 = arith.muli %arg0, %mul3A : i32
    %add3A = arith.addi %mul3A_0, %arg1 : i32
    %lt3A = arith.constant 25 : i32
    %lt3A_1 = arith.cmpi slt, %add3A, %lt3A : i32
    %convert_element_type3A = arith.extui %lt3A_1 : i1 to i32
    %cond3A = arith.constant 0 : i32
    %cond3A_2 = arith.cmpi ne, %convert_element_type3A, %cond3A : i32
    scf.if %cond3A_2 {
      %mul3A_3 = arith.constant 48 : i32
      %mul3A_4 = arith.muli %add3A, %mul3A_3 : i32
      tpu.enqueue_dma source(%arg2 : memref<1024xf32, #tpu.memory_space<hbm>>) target(%arg7 : memref<1024xf32, #tpu.memory_space<vmem>>) target_semaphore(%arg12 : memref<!tpu.dma_semaphore, #tpu.memory_space<semaphore_mem>>)
      tpu.enqueue_dma source(%arg3 : memref<1024xf32, #tpu.memory_space<hbm>>) target(%arg8 : memref<1024xf32, #tpu.memory_space<vmem>>) target_semaphore(%arg12 : memref<!tpu.dma_semaphore, #tpu.memory_space<semaphore_mem>>)
      %dma_start3A = tpu.memref_slice %arg4[%mul3A_4] : memref<1200xi32, #tpu.memory_space<hbm>> -> memref<48xi32, #tpu.memory_space<hbm>>
      %dma_start3A_5 = tpu.memref_slice %arg4[%mul3A_4] : memref<1200xi32, #tpu.memory_space<hbm>> -> memref<48xi32, #tpu.memory_space<hbm>>
      tpu.enqueue_dma source(%dma_start3A_5 : memref<48xi32, #tpu.memory_space<hbm>>) target(%arg9 : memref<48xi32, #tpu.memory_space<vmem>>) target_semaphore(%arg12 : memref<!tpu.dma_semaphore, #tpu.memory_space<semaphore_mem>>)
      %dma_start3A_6 = tpu.memref_slice %arg5[%mul3A_4] : memref<1200xi32, #tpu.memory_space<hbm>> -> memref<48xi32, #tpu.memory_space<hbm>>
      %dma_start3A_7 = tpu.memref_slice %arg5[%mul3A_4] : memref<1200xi32, #tpu.memory_space<hbm>> -> memref<48xi32, #tpu.memory_space<hbm>>
      tpu.enqueue_dma source(%dma_start3A_7 : memref<48xi32, #tpu.memory_space<hbm>>) target(%arg10 : memref<48xi32, #tpu.memory_space<vmem>>) target_semaphore(%arg12 : memref<!tpu.dma_semaphore, #tpu.memory_space<semaphore_mem>>)
      tpu.wait_dma2 semaphore(%arg12 : memref<!tpu.dma_semaphore, #tpu.memory_space<semaphore_mem>>) src(%arg2 : memref<1024xf32, #tpu.memory_space<hbm>>) dst(%arg7 : memref<1024xf32, #tpu.memory_space<vmem>>)
      tpu.wait_dma2 semaphore(%arg12 : memref<!tpu.dma_semaphore, #tpu.memory_space<semaphore_mem>>) src(%arg3 : memref<1024xf32, #tpu.memory_space<hbm>>) dst(%arg8 : memref<1024xf32, #tpu.memory_space<vmem>>)
      %dma_wait3A = tpu.memref_slice %arg4[%mul3A_4] : memref<1200xi32, #tpu.memory_space<hbm>> -> memref<48xi32, #tpu.memory_space<hbm>>
      %dma_wait3A_8 = tpu.memref_slice %arg4[%mul3A_4] : memref<1200xi32, #tpu.memory_space<hbm>> -> memref<48xi32, #tpu.memory_space<hbm>>
      tpu.wait_dma2 semaphore(%arg12 : memref<!tpu.dma_semaphore, #tpu.memory_space<semaphore_mem>>) src(%dma_wait3A_8 : memref<48xi32, #tpu.memory_space<hbm>>) dst(%arg9 : memref<48xi32, #tpu.memory_space<vmem>>)
      %dma_wait3A_9 = tpu.memref_slice %arg5[%mul3A_4] : memref<1200xi32, #tpu.memory_space<hbm>> -> memref<48xi32, #tpu.memory_space<hbm>>
      %dma_wait3A_10 = tpu.memref_slice %arg5[%mul3A_4] : memref<1200xi32, #tpu.memory_space<hbm>> -> memref<48xi32, #tpu.memory_space<hbm>>
      tpu.wait_dma2 semaphore(%arg12 : memref<!tpu.dma_semaphore, #tpu.memory_space<semaphore_mem>>) src(%dma_wait3A_10 : memref<48xi32, #tpu.memory_space<hbm>>) dst(%arg10 : memref<48xi32, #tpu.memory_space<vmem>>)
      %get3A = arith.constant 0 : index
      %get3A_11 = tpu.vector_load %arg9[%get3A] {strides = array<i32>} : memref<48xi32, #tpu.memory_space<vmem>>, vector<16xi32>,
      %get3A_12 = arith.constant 0 : index
      %get3A_13 = tpu.vector_load %arg10[%get3A_12] {strides = array<i32>} : memref<48xi32, #tpu.memory_space<vmem>>, vector<16xi32>,
      %gather3A = tpu.vector_load_idx %arg7[%get3A_11] : memref<1024xf32, #tpu.memory_space<vmem>>[vector<16xi32>], vector<16xf32>,
      %gather3A_14 = tpu.vector_load_idx %arg8[%get3A_13] : memref<1024xf32, #tpu.memory_space<vmem>>[vector<16xi32>], vector<16xf32>,
      %add3A_15 = arith.addf %gather3A, %gather3A_14 : vector<16xf32>
      %neg3A = arith.constant 0.000000e+00 : f32
      %neg3A_16 = vector.broadcast %neg3A : f32 to vector<16xf32>
      %neg3A_17 = arith.subf %neg3A_16, %add3A_15 : vector<16xf32>
      %exp3A = math.exp %neg3A_17 : vector<16xf32>
      %add3A_18 = arith.constant 1.000000e+00 : f32
      %add3A_19 = vector.broadcast %add3A_18 : f32 to vector<16xf32>
      %add3A_20 = arith.addf %add3A_19, %exp3A : vector<16xf32>
      %div3A = arith.constant 1.000000e+00 : f32
      %div3A_21 = vector.broadcast %div3A : f32 to vector<16xf32>
      %div3A_22 = arith.divf %div3A_21, %add3A_20 : vector<16xf32>
      %swap3A = arith.constant 0 : index
      %swap3A_23 = tpu.vector_load %arg11[%swap3A] {strides = array<i32>} : memref<48xf32, #tpu.memory_space<vmem>>, vector<16xf32>,
      tpu.vector_store %arg11[%swap3A], %div3A_22 {strides = array<i32>} : memref<48xf32, #tpu.memory_space<vmem>>, vector<16xf32>,
      %get3A_24 = arith.constant 16 : index
      %get3A_25 = tpu.vector_load %arg9[%get3A_24] {strides = array<i32>} : memref<48xi32, #tpu.memory_space<vmem>>, vector<16xi32>,
      %get3A_26 = arith.constant 16 : index
      %get3A_27 = tpu.vector_load %arg10[%get3A_26] {strides = array<i32>} : memref<48xi32, #tpu.memory_space<vmem>>, vector<16xi32>,
      %gather3A_28 = tpu.vector_load_idx %arg7[%get3A_25] : memref<1024xf32, #tpu.memory_space<vmem>>[vector<16xi32>], vector<16xf32>,
      %gather3A_29 = tpu.vector_load_idx %arg8[%get3A_27] : memref<1024xf32, #tpu.memory_space<vmem>>[vector<16xi32>], vector<16xf32>,
      %add3A_30 = arith.addf %gather3A_28, %gather3A_29 : vector<16xf32>
      %neg3A_31 = arith.constant 0.000000e+00 : f32
      %neg3A_32 = vector.broadcast %neg3A_31 : f32 to vector<16xf32>
      %neg3A_33 = arith.subf %neg3A_32, %add3A_30 : vector<16xf32>
      %exp3A_34 = math.exp %neg3A_33 : vector<16xf32>
      %add3A_35 = arith.constant 1.000000e+00 : f32
      %add3A_36 = vector.broadcast %add3A_35 : f32 to vector<16xf32>
      %add3A_37 = arith.addf %add3A_36, %exp3A_34 : vector<16xf32>
      %div3A_38 = arith.constant 1.000000e+00 : f32
      %div3A_39 = vector.broadcast %div3A_38 : f32 to vector<16xf32>
      %div3A_40 = arith.divf %div3A_39, %add3A_37 : vector<16xf32>
      %swap3A_41 = arith.constant 16 : index
      %swap3A_42 = tpu.vector_load %arg11[%swap3A_41] {strides = array<i32>} : memref<48xf32, #tpu.memory_space<vmem>>, vector<16xf32>,
      tpu.vector_store %arg11[%swap3A_41], %div3A_40 {strides = array<i32>} : memref<48xf32, #tpu.memory_space<vmem>>, vector<16xf32>,
      %get3A_43 = arith.constant 32 : index
      %get3A_44 = tpu.vector_load %arg9[%get3A_43] {strides = array<i32>} : memref<48xi32, #tpu.memory_space<vmem>>, vector<16xi32>,
      %get3A_45 = arith.constant 32 : index
      %get3A_46 = tpu.vector_load %arg10[%get3A_45] {strides = array<i32>} : memref<48xi32, #tpu.memory_space<vmem>>, vector<16xi32>,
      %gather3A_47 = tpu.vector_load_idx %arg7[%get3A_44] : memref<1024xf32, #tpu.memory_space<vmem>>[vector<16xi32>], vector<16xf32>,
      %gather3A_48 = tpu.vector_load_idx %arg8[%get3A_46] : memref<1024xf32, #tpu.memory_space<vmem>>[vector<16xi32>], vector<16xf32>,
      %add3A_49 = arith.addf %gather3A_47, %gather3A_48 : vector<16xf32>
      %neg3A_50 = arith.constant 0.000000e+00 : f32
      %neg3A_51 = vector.broadcast %neg3A_50 : f32 to vector<16xf32>
      %neg3A_52 = arith.subf %neg3A_51, %add3A_49 : vector<16xf32>
      %exp3A_53 = math.exp %neg3A_52 : vector<16xf32>
      %add3A_54 = arith.constant 1.000000e+00 : f32
      %add3A_55 = vector.broadcast %add3A_54 : f32 to vector<16xf32>
      %add3A_56 = arith.addf %add3A_55, %exp3A_53 : vector<16xf32>
      %div3A_57 = arith.constant 1.000000e+00 : f32
      %div3A_58 = vector.broadcast %div3A_57 : f32 to vector<16xf32>
      %div3A_59 = arith.divf %div3A_58, %add3A_56 : vector<16xf32>
      %swap3A_60 = arith.constant 32 : index
      %swap3A_61 = tpu.vector_load %arg11[%swap3A_60] {strides = array<i32>} : memref<48xf32, #tpu.memory_space<vmem>>, vector<16xf32>,
      tpu.vector_store %arg11[%swap3A_60], %div3A_59 {strides = array<i32>} : memref<48xf32, #tpu.memory_space<vmem>>, vector<16xf32>,
      "tpu.region"() ({
        %run_scoped3A = tpu.sem_alloc : memref<!tpu.dma_semaphore, #tpu.memory_space<semaphore_mem>>
        %dma_start3A_62 = tpu.memref_slice %arg6[%mul3A_4] : memref<1200xf32, #tpu.memory_space<hbm>> -> memref<48xf32, #tpu.memory_space<hbm>>
        %dma_start3A_63 = tpu.memref_slice %arg6[%mul3A_4] : memref<1200xf32, #tpu.memory_space<hbm>> -> memref<48xf32, #tpu.memory_space<hbm>>
        tpu.enqueue_dma source(%arg11 : memref<48xf32, #tpu.memory_space<vmem>>) target(%dma_start3A_63 : memref<48xf32, #tpu.memory_space<hbm>>) target_semaphore(%run_scoped3A : memref<!tpu.dma_semaphore, #tpu.memory_space<semaphore_mem>>)
        %dma_wait3A_64 = tpu.memref_slice %arg6[%mul3A_4] : memref<1200xf32, #tpu.memory_space<hbm>> -> memref<48xf32, #tpu.memory_space<hbm>>
        %dma_wait3A_65 = tpu.memref_slice %arg6[%mul3A_4] : memref<1200xf32, #tpu.memory_space<hbm>> -> memref<48xf32, #tpu.memory_space<hbm>>
        tpu.wait_dma2 semaphore(%run_scoped3A : memref<!tpu.dma_semaphore, #tpu.memory_space<semaphore_mem>>) src(%arg11 : memref<48xf32, #tpu.memory_space<vmem>>) dst(%dma_wait3A_65 : memref<48xf32, #tpu.memory_space<hbm>>)
        tpu.yield
      }) : () -> ()
    } else {
    }
    return
  }
}

module attributes {stable_mosaic.version = 14 : i64} {
  func.func @_tc_body(%arg0: memref<1000x128xf32, #tpu.memory_space<vmem>>, %arg1: memref<1x1200xi32, #tpu.memory_space<vmem>>, %arg2: memref<1x1200xi32, #tpu.memory_space<vmem>>, %arg3: memref<128x256xf32, #tpu.memory_space<vmem>>, %arg4: memref<1x256xf32, #tpu.memory_space<vmem>>, %arg5: memref<256x256xf32, #tpu.memory_space<vmem>>, %arg6: memref<1x256xf32, #tpu.memory_space<vmem>>, %arg7: memref<256x128xf32, #tpu.memory_space<vmem>>, %arg8: memref<1x128xf32, #tpu.memory_space<vmem>>, %arg9: memref<128x3xf32, #tpu.memory_space<vmem>>, %arg10: memref<1x1xf32, #tpu.memory_space<vmem>>, %arg11: memref<1x1xf32, #tpu.memory_space<vmem>>, %arg12: memref<1024x1xf32, #tpu.memory_space<vmem>>, %arg13: memref<1024x1xf32, #tpu.memory_space<vmem>>, %arg14: memref<1000x1xf32, #tpu.memory_space<vmem>>) attributes {dimension_semantics = [], scalar_prefetch = 0 : i64, scratch_operands = 0 : i64, tpu.core_type = #tpu.core_type<tc>} {
    %get3A = arith.constant 0 : index
    %get3A_0 = arith.constant 0 : index
    %get3A_1 = vector.load %arg2[%get3A, %get3A_0] : memref<1x1200xi32, #tpu.memory_space<vmem>>, vector<1x1200xi32>
    %get3A_2 = arith.constant 0 : index
    %get3A_3 = arith.constant 0 : index
    %get3A_4 = vector.load %arg1[%get3A_2, %get3A_3] : memref<1x1200xi32, #tpu.memory_space<vmem>>, vector<1x1200xi32>
    %iota3A = tpu.iota {dimensions = array<i32: 0>} : vector<1000x1200xi32>
    %eq3A = vector.broadcast %get3A_1 : vector<1x1200xi32> to vector<1000x1200xi32>
    %eq3A_5 = arith.cmpi eq, %iota3A, %eq3A : vector<1000x1200xi32>
    %convert_element_type3A = arith.extui %eq3A_5 : vector<1000x1200xi1> to vector<1000x1200xi32>
    %convert_element_type3A_6 = arith.sitofp %convert_element_type3A : vector<1000x1200xi32> to vector<1000x1200xf32>
    %convert_element_type3A_7 = arith.truncf %convert_element_type3A_6 : vector<1000x1200xf32> to vector<1000x1200xbf16>
    %eq3A_8 = vector.broadcast %get3A_4 : vector<1x1200xi32> to vector<1000x1200xi32>
    %eq3A_9 = arith.cmpi eq, %iota3A, %eq3A_8 : vector<1000x1200xi32>
    %convert_element_type3A_10 = arith.extui %eq3A_9 : vector<1000x1200xi1> to vector<1000x1200xi32>
    %convert_element_type3A_11 = arith.sitofp %convert_element_type3A_10 : vector<1000x1200xi32> to vector<1000x1200xf32>
    %convert_element_type3A_12 = arith.truncf %convert_element_type3A_11 : vector<1000x1200xf32> to vector<1000x1200xbf16>
    %reduce_sum3A = arith.constant dense<0.000000e+00> : vector<1000xf32>
    %reduce_sum3A_13 = vector.multi_reduction <add>, %convert_element_type3A_6, %reduce_sum3A [1] : vector<1000x1200xf32> to vector<1000xf32>
    %broadcast_in_dim3A = vector.shape_cast %reduce_sum3A_13 : vector<1000xf32> to vector<1000x1xf32>
    %add3A = arith.constant 1.000000e+00 : f32
    %add3A_14 = vector.broadcast %add3A : f32 to vector<1000x1xf32>
    %add3A_15 = arith.addf %broadcast_in_dim3A, %add3A_14 : vector<1000x1xf32>
    %max3A = arith.constant 1.000000e+00 : f32
    %max3A_16 = vector.broadcast %max3A : f32 to vector<1000x1xf32>
    %max3A_17 = arith.maximumf %add3A_15, %max3A_16 : vector<1000x1xf32>
    %rsqrt3A = math.rsqrt %max3A_17 : vector<1000x1xf32>
    %dot_general3A = arith.constant dense<0.000000e+00> : vector<1000x1000xf32>
    %dot_general3A_18 = tpu.matmul %convert_element_type3A_7, %convert_element_type3A_12, %dot_general3A {dimension_numbers = #tpu.dot_dimension_numbers<[1], [1], [0], [0], [0, 0, 1, 0], [], []>, transpose_lhs_hint = false} : vector<1000x1200xbf16>, vector<1000x1200xbf16>, vector<1000x1000xf32> -> vector<1000x1000xf32>
    %get3A_19 = arith.constant 0 : index
    %get3A_20 = arith.constant 0 : index
    %get3A_21 = vector.load %arg0[%get3A_19, %get3A_20] : memref<1000x128xf32, #tpu.memory_space<vmem>>, vector<1000x128xf32>
    %get3A_22 = arith.constant 0 : index
    %get3A_23 = arith.constant 0 : index
    %get3A_24 = vector.load %arg3[%get3A_22, %get3A_23] : memref<128x256xf32, #tpu.memory_space<vmem>>, vector<128x256xf32>
    %dot_general3A_25 = arith.constant dense<0.000000e+00> : vector<1000x256xf32>
    %dot_general3A_26 = tpu.matmul %get3A_21, %get3A_24, %dot_general3A_25 {dimension_numbers = #tpu.dot_dimension_numbers<[1], [0], [0], [1], [0, 0, 1, 1], [], []>, transpose_lhs_hint = false} : vector<1000x128xf32>, vector<128x256xf32>, vector<1000x256xf32> -> vector<1000x256xf32>
    %get3A_27 = arith.constant 0 : index
    %get3A_28 = arith.constant 0 : index
    %get3A_29 = vector.load %arg4[%get3A_27, %get3A_28] : memref<1x256xf32, #tpu.memory_space<vmem>>, vector<1x256xf32>
    %add3A_30 = vector.broadcast %get3A_29 : vector<1x256xf32> to vector<1000x256xf32>
    %add3A_31 = arith.addf %dot_general3A_26, %add3A_30 : vector<1000x256xf32>
    %max3A_32 = arith.constant 0.000000e+00 : f32
    %max3A_33 = vector.broadcast %max3A_32 : f32 to vector<1000x256xf32>
    %max3A_34 = arith.maximumf %add3A_31, %max3A_33 : vector<1000x256xf32>
    %get3A_35 = arith.constant 0 : index
    %get3A_36 = arith.constant 0 : index
    %get3A_37 = vector.load %arg5[%get3A_35, %get3A_36] : memref<256x256xf32, #tpu.memory_space<vmem>>, vector<256x256xf32>
    %dot_general3A_38 = arith.constant dense<0.000000e+00> : vector<1000x256xf32>
    %dot_general3A_39 = tpu.matmul %max3A_34, %get3A_37, %dot_general3A_38 {dimension_numbers = #tpu.dot_dimension_numbers<[1], [0], [0], [1], [0, 0, 1, 1], [], []>, transpose_lhs_hint = false} : vector<1000x256xf32>, vector<256x256xf32>, vector<1000x256xf32> -> vector<1000x256xf32>
    %mul3A = vector.broadcast %rsqrt3A : vector<1000x1xf32> to vector<1000x256xf32>
    %mul3A_40 = arith.mulf %mul3A, %dot_general3A_39 : vector<1000x256xf32>
    %dot_general3A_41 = arith.constant dense<0.000000e+00> : vector<1000x256xf32>
    %dot_general3A_42 = tpu.matmul %dot_general3A_18, %mul3A_40, %dot_general3A_41 {dimension_numbers = #tpu.dot_dimension_numbers<[1], [0], [0], [1], [0, 0, 1, 1], [], []>, transpose_lhs_hint = false} : vector<1000x1000xf32>, vector<1000x256xf32>, vector<1000x256xf32> -> vector<1000x256xf32>
    %add3A_43 = arith.addf %dot_general3A_42, %mul3A_40 : vector<1000x256xf32>
    %mul3A_44 = vector.broadcast %rsqrt3A : vector<1000x1xf32> to vector<1000x256xf32>
    %mul3A_45 = arith.mulf %mul3A_44, %add3A_43 : vector<1000x256xf32>
    %get3A_46 = arith.constant 0 : index
    %get3A_47 = arith.constant 0 : index
    %get3A_48 = vector.load %arg6[%get3A_46, %get3A_47] : memref<1x256xf32, #tpu.memory_space<vmem>>, vector<1x256xf32>
    %add3A_49 = vector.broadcast %get3A_48 : vector<1x256xf32> to vector<1000x256xf32>
    %add3A_50 = arith.addf %mul3A_45, %add3A_49 : vector<1000x256xf32>
    %max3A_51 = arith.constant 0.000000e+00 : f32
    %max3A_52 = vector.broadcast %max3A_51 : f32 to vector<1000x256xf32>
    %max3A_53 = arith.maximumf %add3A_50, %max3A_52 : vector<1000x256xf32>
    %get3A_54 = arith.constant 0 : index
    %get3A_55 = arith.constant 0 : index
    %get3A_56 = vector.load %arg7[%get3A_54, %get3A_55] : memref<256x128xf32, #tpu.memory_space<vmem>>, vector<256x128xf32>
    %dot_general3A_57 = arith.constant dense<0.000000e+00> : vector<1000x128xf32>
    %dot_general3A_58 = tpu.matmul %max3A_53, %get3A_56, %dot_general3A_57 {dimension_numbers = #tpu.dot_dimension_numbers<[1], [0], [0], [1], [0, 0, 1, 1], [], []>, transpose_lhs_hint = false} : vector<1000x256xf32>, vector<256x128xf32>, vector<1000x128xf32> -> vector<1000x128xf32>
    %mul3A_59 = vector.broadcast %rsqrt3A : vector<1000x1xf32> to vector<1000x128xf32>
    %mul3A_60 = arith.mulf %mul3A_59, %dot_general3A_58 : vector<1000x128xf32>
    %dot_general3A_61 = arith.constant dense<0.000000e+00> : vector<1000x128xf32>
    %dot_general3A_62 = tpu.matmul %dot_general3A_18, %mul3A_60, %dot_general3A_61 {dimension_numbers = #tpu.dot_dimension_numbers<[1], [0], [0], [1], [0, 0, 1, 1], [], []>, transpose_lhs_hint = false} : vector<1000x1000xf32>, vector<1000x128xf32>, vector<1000x128xf32> -> vector<1000x128xf32>
    %add3A_63 = arith.addf %dot_general3A_62, %mul3A_60 : vector<1000x128xf32>
    %mul3A_64 = vector.broadcast %rsqrt3A : vector<1000x1xf32> to vector<1000x128xf32>
    %mul3A_65 = arith.mulf %mul3A_64, %add3A_63 : vector<1000x128xf32>
    %get3A_66 = arith.constant 0 : index
    %get3A_67 = arith.constant 0 : index
    %get3A_68 = vector.load %arg8[%get3A_66, %get3A_67] : memref<1x128xf32, #tpu.memory_space<vmem>>, vector<1x128xf32>
    %add3A_69 = vector.broadcast %get3A_68 : vector<1x128xf32> to vector<1000x128xf32>
    %add3A_70 = arith.addf %mul3A_65, %add3A_69 : vector<1000x128xf32>
    %max3A_71 = arith.constant 0.000000e+00 : f32
    %max3A_72 = vector.broadcast %max3A_71 : f32 to vector<1000x128xf32>
    %max3A_73 = arith.maximumf %add3A_70, %max3A_72 : vector<1000x128xf32>
    %get3A_74 = arith.constant 0 : index
    %get3A_75 = arith.constant 0 : index
    %get3A_76 = vector.load %arg9[%get3A_74, %get3A_75] : memref<128x3xf32, #tpu.memory_space<vmem>>, vector<128x3xf32>
    %dot_general3A_77 = arith.constant dense<0.000000e+00> : vector<1000x3xf32>
    %dot_general3A_78 = tpu.matmul %max3A_73, %get3A_76, %dot_general3A_77 {dimension_numbers = #tpu.dot_dimension_numbers<[1], [0], [0], [1], [0, 0, 1, 1], [], []>, transpose_lhs_hint = false} : vector<1000x128xf32>, vector<128x3xf32>, vector<1000x3xf32> -> vector<1000x3xf32>
    %broadcast_in_dim3A_79 = arith.constant 0.000000e+00 : f32
    %broadcast_in_dim3A_80 = vector.broadcast %broadcast_in_dim3A_79 : f32 to vector<24x1xf32>
    %slice3A = vector.extract_strided_slice %dot_general3A_78 {offsets = [0, 0], sizes = [1000, 1], strides = [1, 1]} : vector<1000x3xf32> to vector<1000x1xf32>
    %get3A_81 = arith.constant 0 : index
    %get3A_82 = arith.constant 0 : index
    %get3A_83 = vector.load %arg10[%get3A_81, %get3A_82] : memref<1x1xf32, #tpu.memory_space<vmem>>, vector<1x1xf32>
    %add3A_84 = vector.broadcast %get3A_83 : vector<1x1xf32> to vector<1000x1xf32>
    %add3A_85 = arith.addf %slice3A, %add3A_84 : vector<1000x1xf32>
    %concatenate3A = tpu.concatenate %add3A_85, %broadcast_in_dim3A_80 in 0 : vector<1000x1xf32>, vector<24x1xf32> -> vector<1024x1xf32>
    %swap3A = arith.constant 0 : index
    %swap3A_86 = arith.constant 0 : index
    %swap3A_87 = vector.load %arg12[%swap3A, %swap3A_86] : memref<1024x1xf32, #tpu.memory_space<vmem>>, vector<1024x1xf32>
    tpu.vector_store %arg12[%swap3A, %swap3A_86], %concatenate3A {strides = array<i32>} : memref<1024x1xf32, #tpu.memory_space<vmem>>, vector<1024x1xf32>,
    %slice3A_88 = vector.extract_strided_slice %dot_general3A_78 {offsets = [0, 1], sizes = [1000, 1], strides = [1, 1]} : vector<1000x3xf32> to vector<1000x1xf32>
    %concatenate3A_89 = tpu.concatenate %slice3A_88, %broadcast_in_dim3A_80 in 0 : vector<1000x1xf32>, vector<24x1xf32> -> vector<1024x1xf32>
    %swap3A_90 = arith.constant 0 : index
    %swap3A_91 = arith.constant 0 : index
    %swap3A_92 = vector.load %arg13[%swap3A_90, %swap3A_91] : memref<1024x1xf32, #tpu.memory_space<vmem>>, vector<1024x1xf32>
    tpu.vector_store %arg13[%swap3A_90, %swap3A_91], %concatenate3A_89 {strides = array<i32>} : memref<1024x1xf32, #tpu.memory_space<vmem>>, vector<1024x1xf32>,
    %slice3A_93 = vector.extract_strided_slice %dot_general3A_78 {offsets = [0, 2], sizes = [1000, 1], strides = [1, 1]} : vector<1000x3xf32> to vector<1000x1xf32>
    %get3A_94 = arith.constant 0 : index
    %get3A_95 = arith.constant 0 : index
    %get3A_96 = vector.load %arg11[%get3A_94, %get3A_95] : memref<1x1xf32, #tpu.memory_space<vmem>>, vector<1x1xf32>
    %add3A_97 = vector.broadcast %get3A_96 : vector<1x1xf32> to vector<1000x1xf32>
    %add3A_98 = arith.addf %slice3A_93, %add3A_97 : vector<1000x1xf32>
    %logistic3A = arith.negf %add3A_98 : vector<1000x1xf32>
    %logistic3A_99 = math.exp %logistic3A : vector<1000x1xf32>
    %logistic3A_100 = arith.constant 1.000000e+00 : f32
    %logistic3A_101 = vector.broadcast %logistic3A_100 : f32 to vector<1000x1xf32>
    %logistic3A_102 = arith.addf %logistic3A_101, %logistic3A_99 : vector<1000x1xf32>
    %logistic3A_103 = arith.divf %logistic3A_101, %logistic3A_102 : vector<1000x1xf32>
    %mul3A_104 = arith.constant 2.000000e-01 : f32
    %mul3A_105 = vector.broadcast %mul3A_104 : f32 to vector<1000x1xf32>
    %mul3A_106 = arith.mulf %mul3A_105, %logistic3A_103 : vector<1000x1xf32>
    %add3A_107 = arith.constant 0.899999976 : f32
    %add3A_108 = vector.broadcast %add3A_107 : f32 to vector<1000x1xf32>
    %add3A_109 = arith.addf %add3A_108, %mul3A_106 : vector<1000x1xf32>
    %integer_pow3A = arith.mulf %add3A_109, %add3A_109 : vector<1000x1xf32>
    %swap3A_110 = arith.constant 0 : index
    %swap3A_111 = arith.constant 0 : index
    %swap3A_112 = vector.load %arg14[%swap3A_110, %swap3A_111] : memref<1000x1xf32, #tpu.memory_space<vmem>>, vector<1000x1xf32>
    tpu.vector_store %arg14[%swap3A_110, %swap3A_111], %integer_pow3A {strides = array<i32>} : memref<1000x1xf32, #tpu.memory_space<vmem>>, vector<1000x1xf32>,
    return
  }
}

</mosaic_0001>

<sc_bundles>
// kernel: kernel.4.cloned.1.call-start
scs
__scs_entry_jumppad:
0x0: {  	(pc) =	sbr.rel $0x88, $3  }
0x1: {  	(tag) =	ssettag $0x0;
	lr =	simm.s32 $0x1  }
0x2: {  	[smem:$0x3F95] =	sst lr;
	_ =	strace $0xD0000000  }
0x3: {  	_ = 	snop  }
0x4: {  	_ = 	snop  }
0x5: {  	_ = 	snop  }
0x6: {  	_ = 	snop  }
0x7: {  	_ = 	snop  }
__scs_overlays_trampoline_lowered:
0x8: {  	[smem:$0x3FA4] =	sst s0  }
0x9: {  	[smem:$0x3FA5] =	sst s1  }
0xa: {  	[smem:$0x3FA6] =	sst s2  }
0xb: {  	[smem:$0x3FA7] =	sst s3  }
0xc: {  	[smem:$0x3FA8] =	sst s4  }
0xd: {  	[smem:$0x3FA9] =	sst s5  }
0xe: {  	[smem:$0x3FAA] =	sst s6  }
0xf: {  	[smem:$0x3FAB] =	sst s7  }
0x10: {  	[smem:$0x3FAC] =	sst s8  }
0x11: {  	[smem:$0x3FAD] =	sst s9;
	s0 =	simm.s32 @!p0 $0x0  }
0x12: {  	s1 =	sld [smem:$0x3F93];
	s0 =	simm.s32 @p0 $0x1  }
0x13: {  	[smem:$0x3FAE] =	sst s0;
	s0 =	simm.s32 @!p1 $0x0  }
0x14: {  	s2 =	sld [smem:$0x3F92];
	s0 =	simm.s32 @p1 $0x1  }
0x15: {  	[smem:$0x3FAF] =	sst s0;
	s0 =	simm.s32 @!p2 $0x0  }
0x16: {  	s3 =	sld [smem:$0x3FDB];
	s0 =	simm.s32 @p2 $0x1  }
0x17: {  	s4 =	simm.s32 $0x1BF5;
	[smem:$0x3FB1] =	sst s0  }
0x18: {  	s0 =	sld [smem:$0x3F94];
	_ =	swait.ge [sflag:s4], $0x0  }
0x19: {  	s7 =	sld [smem:$0x3F95]  }
0x1a: {  	s8 =	sadd.s32 $0xFFFFE003, lr  }
0x1b: {  	s9 =	sadd.s32 $0xFFFFFEF7, lr;
	s5 =	simm.s32 $0xFFFFFFFF;
	p2 =	slt.u32 s8, $0xFFFFF086  }
0x1c: {  	p1 =	slt.u32 s9, $0xF7A;
	s5 =	simm.s32 @!p2 $0x0  }
0x1d: {  	s5 =	simm.s32 @p1 $0x1;
	p0 =	seq.s32 s7, s2  }
0x1e: {  	s7 =	smul.u32 @!p0 $0xF7A, s2;
	p2 =	seq.s32 @!p0 s5, $0x0  }
0x1f: {  	s9 =	smul.u32 $0xF7A, s1;
	s8 =	simm.s32 @!p0 $0x1BF5;
	p2 =	por !p2, p0  }
0x20: {  	[sflag:s8] =	ssyncset.s32 @!p0 $0xFFFFF086;
	s6 =	sadd.s32 @!p0 s3, s7;
	s7 =	simm.s32 @!p0 $0x108  }
0x21: {  	s3 =	sadd.s32 s3, s9;
	s6 =	sadd.s32 @!p0 $0x88, s6;
	s7 =	simm.s32 @p2 $0x1082  }
0x22: {  	[simem:s7], [sflag:s8] =	dma.local @!p0 [hbm:s6], $0xF7A  }
0x23: {  	s9 =	sor.u32 $0xD0000000, s2;
	s6 =	simm.s32 $0x108;
	_ =	swait.ge @!p0 [sflag:s8], $0x0  }
0x24: {  	s3 =	sadd.s32 $0x88, s3;
	s6 =	simm.s32 @!p1 $0x1082;
	[sflag:s4] =	ssyncset.s32 $0xFFFFF086  }
0x25: {  	[simem:s6], [sflag:s4] =	dma.local [hbm:s3], $0xF7A  }
0x26: {  	[smem:$0x3F95] =	sst s1;
	(tag) =	ssettag s2;
	_ =	strace s9  }
0x27: {  	s1 =	sld [smem:$0x3FA5]  }
0x28: {  	s2 =	sld [smem:$0x3FA6]  }
0x29: {  	s4 =	sld [smem:$0x3FA8]  }
0x2a: {  	p0 =	seq.s32 s5, $0x0;
	s5 =	sld [smem:$0x3FA9]  }
0x2b: {  	s6 =	sld [smem:$0x3FAA]  }
0x2c: {  	s7 =	sld [smem:$0x3FAB]  }
0x2d: {  	s3 =	simm.s32 $0x108;
	s8 =	sld [smem:$0x3FAC]  }
0x2e: {  	s3 =	simm.s32 @!p0 $0x1082;
	s9 =	sld [smem:$0x3FAD]  }
0x2f: {  	lr =	sadd.s32 s0, s3;
	s0 =	sld [smem:$0x3FA4]  }
0x30: {  	s3 =	sld [smem:$0x3FA7]  }
0x31: {  	[smem:$0x3FB0] =	sst s10  }
0x32: {  	s10 =	sld [smem:$0x3FAE];
	_ =	sdelay $0x3  }
0x33: {  	p0 =	seq.s32 s10, $0x1;
	s10 =	sld [smem:$0x3FB0];
	_ =	sdelay $0x3  }
0x34: {  	[smem:$0x3FB0] =	sst s10  }
0x35: {  	s10 =	sld [smem:$0x3FAF];
	_ =	sdelay $0x3  }
0x36: {  	p1 =	seq.s32 s10, $0x1;
	s10 =	sld [smem:$0x3FB0];
	_ =	sdelay $0x3  }
0x37: {  	[smem:$0x3FB0] =	sst s10  }
0x38: {  	s10 =	sld [smem:$0x3FB1]  }
0x39: {  	_ = 	snop;
	(pc) =	sbr.ind lr, $3  }
0x3a: {  	_ = 	snop  }
0x3b: {  	_ = 	snop  }
0x3c: {  	p2 =	seq.s32 s10, $0x1;
	s10 =	sld [smem:$0x3FB0]  }
0x3d: {  	_ =	shalt  }
0x3e: {  	_ =	shalt  }
0x3f: {  	_ =	shalt  }
0x40: {  	_ =	shalt  }
0x41: {  	_ =	shalt  }
0x42: {  	_ =	shalt  }
0x43: {  	_ =	shalt  }
0x44: {  	_ =	shalt  }
0x45: {  	_ =	shalt  }
0x46: {  	_ =	shalt  }
0x47: {  	_ =	shalt  }
0x48: {  	_ =	shalt  }
0x49: {  	_ =	shalt  }
0x4a: {  	_ =	shalt  }
0x4b: {  	_ =	shalt  }
0x4c: {  	_ =	shalt  }
0x4d: {  	_ =	shalt  }
0x4e: {  	_ =	shalt  }
0x4f: {  	_ =	shalt  }
0x50: {  	_ =	shalt  }
0x51: {  	_ =	shalt  }
0x52: {  	_ =	shalt  }
0x53: {  	_ =	shalt  }
0x54: {  	_ =	shalt  }
0x55: {  	_ =	shalt  }
0x56: {  	_ =	shalt  }
0x57: {  	_ =	shalt  }
0x58: {  	_ =	shalt  }
0x59: {  	_ =	shalt  }
0x5a: {  	_ =	shalt  }
0x5b: {  	_ =	shalt  }
0x5c: {  	_ =	shalt  }
0x5d: {  	_ =	shalt  }
0x5e: {  	_ =	shalt  }
0x5f: {  	_ =	shalt  }
0x60: {  	_ =	shalt  }
0x61: {  	_ =	shalt  }
0x62: {  	_ =	shalt  }
0x63: {  	_ =	shalt  }
0x64: {  	_ =	shalt  }
0x65: {  	_ =	shalt  }
0x66: {  	_ =	shalt  }
0x67: {  	_ =	shalt  }
0x68: {  	_ =	shalt  }
0x69: {  	_ =	shalt  }
0x6a: {  	_ =	shalt  }
0x6b: {  	_ =	shalt  }
0x6c: {  	_ =	shalt  }
0x6d: {  	_ =	shalt  }
0x6e: {  	_ =	shalt  }
0x6f: {  	_ =	shalt  }
0x70: {  	_ =	shalt  }
0x71: {  	_ =	shalt  }
0x72: {  	_ =	shalt  }
0x73: {  	_ =	shalt  }
0x74: {  	_ =	shalt  }
0x75: {  	_ =	shalt  }
0x76: {  	_ =	shalt  }
0x77: {  	_ =	shalt  }
0x78: {  	_ =	shalt  }
0x79: {  	_ =	shalt  }
0x7a: {  	_ =	shalt  }
0x7b: {  	_ =	shalt  }
0x7c: {  	_ =	shalt  }
0x7d: {  	_ =	shalt  }
0x7e: {  	_ =	shalt  }
0x7f: {  	_ =	shalt  }
0x80: {  	_ =	shalt  }
0x81: {  	_ =	shalt  }
0x82: {  	_ =	shalt  }
0x83: {  	_ =	shalt  }
0x84: {  	_ =	shalt  }
0x85: {  	_ =	shalt  }
0x86: {  	_ =	shalt  }
0x87: {  	_ =	shalt  }
.Lfunc_end0:
.L_simem_size_0:
called_computation_lowered:
.L_overlay_start_0:
0x88: {  	s2 =	sld [smem:$0x3FD9]  }
0x89: {  	s3 =	sld [smem:$0x3FFE];
	_ =	sdelay $0x1  }
0x8a: {  	s1 =	srdreg.scid  }
0x8b: {  	s0 =	sand.u32 $0x1, s1  }
0x8c: {  	s14 =	sshll.u32 s0, $0xA;
	s2 =	sadd.s32 s3, s2  }
0x8d: {  	s2 =	sadd.s32 s2, s14  }
0x8e: {  	[smem:$0x3FBC] =	sst s2  }
0x8f: {  	_ = 	snop  }
0x90: {  	s2 =	sld [smem:$0x3FD0];
	_ =	sdelay $0x2  }
0x91: {  	s15 =	simm.s32 $0xA;
	s4 =	simm.s32 $0x10  }
0x92: {  	[smem:s4], [sflag:s15] =	dma.local [hbm:s2], $0x1  }
0x93: {  	_ =	swait.eq [sflag:s15], $0x1  }
0x94: {  	[sflag:s15] =	ssyncset.done $0x0  }
0x95: {  	[sflag:s15] =	ssyncadd.s32 $0xFFFFFFFF  }
0x96: {  	s16 =	sld [smem:$0x10];
	(tm) =	ssettm $0x1  }
0x97: {  	s17 =	sld [smem:$0x3FFB];
	_ =	sdelay $0x3  }
0x98: {  	_ =	strace s17  }
0x99: {  	s3 =	sld [smem:$0x3FFC];
	_ =	sdelay $0x3  }
0x9a: {  	_ =	strace s3  }
0x9b: {  	s3 =	sld [smem:$0x3FFD];
	_ =	sdelay $0x3  }
0x9c: {  	_ =	strace s3  }
0x9d: {  	_ =	strace $0x8FFFFFFF  }
0x9e: {  	s18 =	sld [smem:$0x3FDB];
	_ =	sdelay $0x1  }
0x9f: {  	s19 =	simm.s32 $_scs_section_size  }
0xa0: {  	s5 =	simm.s32 $_size__tile_overlayer_lowered;
	s6 =	simm.s32 $_tile_overlayer_lowered  }
0xa1: {  	s22 =	simm.s32 $0x1BFF;
	s21 =	sshll.u32 s6, $0x1;
	s3 =	sadd.s32 s19, s18  }
0xa2: {  	s7 =	simm.s32 $0x0;
	s20 =	sshll.u32 s5, $0x1;
	s5 =	sadd.s32 s21, s3  }
0xa3: {  	[timem:s7], [sflag:s22] =	dma.local [hbm:s5], s20  }
0xa4: {  	_ =	swait.ge [sflag:s22], s20  }
0xa5: {  	s4 =	ssub.s32 $0x0, s20;
	[sflag:s22] =	ssyncset.done $0x0  }
0xa6: {  	[sflag:s22] =	ssyncadd.s32 s4;
	_ =	sdelay $0x1  }
0xa7: {  	s23 =	simm.s32 $0x1B8B  }
0xa8: {  	_ =	swait.ge [sflag:s23], $0x1  }
0xa9: {  	[sflag:s23] =	ssyncset.done $0x0  }
0xaa: {  	s25 =	simm.s32 $0x1B8E;
	s24 =	sld [smem:$0x3FFE];
	[sflag:s23] =	ssyncadd.s32 $0xFFFFFFFF  }
0xab: {  	s26 =	simm.s32 $execute0_lowered;
	[smem:$0x3FD2] =	sst s25  }
0xac: {  	s5 =	sshll.u32 s26, $0x1;
	_ =	strace $0x80000046;
	[dreg:$0x1] =	wrdreg $0xFFFFFFFF  }
0xad: {  	s28 =	simm.s32 $_size_execute0_lowered;
	s3 =	sadd.s32 s3, s5;
	[dreg:$0x0] =	wrdreg $0x0  }
0xae: {  	s5 =	sshll.u32 s28, $0x1;
	[dreg:$0x2] =	wrdreg s3  }
0xaf: {  	[dreg:$0x3] =	wrdreg s5  }
0xb0: {  	[dreg:$0x4] =	wrdreg $0xC0  }
0xb1: {  	_ =	task [dreg:s7], $0x5FFFF  }
0xb2: {  	[dreg:$0x1] =	wrdreg $0xFFFFFFFF  }
0xb3: {  	[dreg:$0x0] =	wrdreg $0x60  }
0xb4: {  	[dreg:$0x2] =	wrdreg s24  }
0xb5: {  	[dreg:$0x3] =	wrdreg s16  }
0xb6: {  	[dreg:$0x4] =	wrdreg $0x9  }
0xb7: {  	_ =	task.clear_ibuf [dreg:s7], $0x5FFFF;
	_ =	strace $0x90000046  }
0xb8: {  	s29 =	simm.s32 $0x9;
	_ =	strace $0x80000048  }
0xb9: {  	_ =	swait.ge [sflag:s29], $0x1  }
0xba: {  	[sflag:s29] =	ssyncadd.s32 $0xFFFFFFFF  }
0xbb: {  	_ =	strace $0x90000048  }
0xbc: {  	_ =	sfence  }
0xbd: {  	s30 =	sld [smem:$0x0];
	_ =	sdelay $0x2  }
0xbe: {  	s31 =	sshll.u32 s1, $0xD;
	s1 =	sshrl.u32 s1, $0x2  }
0xbf: {  	s3 =	sand.u32 $0x4000, s31;
	s1 =	sadd.s32 s1, s30  }
0xc0: {  	s0 =	sor.u32 s3, s0;
	s1 =	sshll.u32 s1, $0x11  }
0xc1: {  	s0 =	sor.u32 s1, s0  }
0xc2: {  	s0 =	sadd.s32 $0x8F2B, s0  }
0xc3: {  	[sflag:s0] =	ssyncadd.remote.s32 $0x1  }
0xc4: {  	_ =	sfence.sel $0xFFFF  }
0xc5: {  	[dreg:$0x0] =	wrdreg $0xFFFFFFFF;
	(pc) =	sbr.abs _section_cstart, $3  }
0xc6: {  	[dreg:$0x1] =	wrdreg $0xFFFFFFFF  }
0xc7: {  	_ =	task.clear_ibuf [dreg:s7], $0x2FFFF;
	_ =	strace $0x9FFFFFFF  }
0xc8: {  	(tm) =	ssettm $0x7FFFFFFF  }
0xc9: {  	_ =	shalt  }
tec
execute0_lowered:
.L_overlay_start_1:
0x0: {  	(tag) =	ssettag $0x1  }
0x1: {  	s0 =	srdreg.scid  }
0x2: {  	s12 =	sand.u32 $0x1, s0  }
0x3: {  	s1 =	stileid.u32;
	s3 =	sshll.u32 s12, $0x4  }
0x4: {  	s5 =	sor.u32 s1, s3  }
0x5: {  	p0 =	sgt.u32 s5, $0x18  }
.Ltmp0:
0x6: {  	_ = 	snop;
	(pc) =	sbr.rel @p0 .LBB2_4-.Ltmp0, $4  }
0x7: {  	s8 =	rddreg [dreg:$0x0]  }
0x8: {  	s11 =	rddreg [dreg:$0x1];
	s2 =	simm.s32 $0x0  }
0x9: {  	[smem:$0x7FF] =	sst s2  }
0xa: {  	s0 =	rddreg [dreg:$0x2];
	_ =	strace $0x80000047  }
0xb: {  	s3 =	sadd.s32 $0x400, s8;
	s4 =	sadd.s32 $0x600, s8  }
0xc: {  	[tilespmem:s2], [sflag:$0x1] =	stream.linear.gather [hbm4b:s3+s2], $0x400, $0x38;
	[tilespmem:$0x980] =	vst v63  }
0xd: {  	s6 =	sadd.s32 $0x200, s8;
	s13 =	smul.u32 $0x6, s5;
	s5 =	simm.s32 $0x400  }
0xe: {  	[tilespmem:s5], [sflag:$0x1] =	stream.linear.gather [hbm4b:s4+s2], $0x400, $0x38;
	[tilespmem:$0x980] =	vst v63  }
0xf: {  	s7 =	simm.s32 $0x800;
	s6 =	sadd.s32 s6, s13  }
0x10: {  	[tilespmem:s7], [sflag:$0x1] =	stream.linear.gather [hbm4b:s6+s2], $0x30, $0x38;
	[tilespmem:$0x980] =	vst v63  }
0x11: {  	s9 =	simm.s32 $0x880;
	s10 =	simm.s32 $0x1;
	s8 =	sadd.s32 s8, s13  }
0x12: {  	[tilespmem:s9], [sflag:$0x1] =	stream.linear.gather [hbm4b:s8+s2], $0x30, $0x38;
	[tilespmem:$0x980] =	vst v63  }
0x13: {  	_ =	swait.ge [sflag:s10], $0x400  }
0x14: {  	[sflag:s10] =	ssyncset.done $0x0  }
0x15: {  	[sflag:s10] =	ssyncadd.s32 $0xFFFFFC00  }
0x16: {  	_ =	swait.ge [sflag:s10], $0x400  }
0x17: {  	[sflag:s10] =	ssyncset.done $0x0  }
0x18: {  	[sflag:s10] =	ssyncadd.s32 $0xFFFFFC00  }
0x19: {  	_ =	swait.ge [sflag:s10], $0x30  }
0x1a: {  	[sflag:s10] =	ssyncset.done $0x0  }
0x1b: {  	[sflag:s10] =	ssyncadd.s32 $0xFFFFFFD0  }
0x1c: {  	_ =	swait.ge [sflag:s10], $0x30  }
0x1d: {  	[sflag:s10] =	ssyncset.done $0x0  }
0x1e: {  	[sflag:s10] =	ssyncadd.s32 $0xFFFFFFD0  }
0x1f: {  	v0 =	vld [tilespmem:$0x800]  }
0x20: {  	v1 =	vld [tilespmem:$0x880];
	_ =	sdelay $0x6  }
0x21: {  	v0 =	vld.idx.msk [tilespmem:v0+s2+$0x0], $0xffff  }
0x22: {  	v1 =	vld.idx.msk [tilespmem:v1+s5+$0x0], $0xffff;
	_ =	sdelay $0x4  }
0x23: {  	v0 =	vadd.f32 v1, v0;
	_ =	sdelay $0x1  }
0x24: {  	v0 =	vsub.f32 $0.0e+00, v0;
	_ =	sdelay $0x1  }
0x25: {  	v0 =	vmul.f32 $1.442695020e+00, v0;
	_ =	sdelay $0x1  }
0x26: {  	(erf) = vpow2.f32 v0;
	_ =	sdelay $0x8  }
0x27: {  	v0 =	vpop (erf)  }
0x28: {  	v0 =	vadd.f32 $1.000000000e+00, v0;
	_ =	sdelay $0x1  }
0x29: {  	(erf) = vrcp.f32 v0;
	_ =	sdelay $0x2  }
0x2a: {  	v59 =	vld [tilespmem:$0x810]  }
0x2b: {  	v60 =	vld [tilespmem:$0x890];
	_ =	sdelay $0x4  }
0x2c: {  	v2 =	vpop (erf)  }
0x2d: {  	[tilespmem:$0x900] =	vst v2  }
0x2e: {  	v0 =	vld.idx.msk [tilespmem:v59+s2+$0x0], $0xffff  }
0x2f: {  	v1 =	vld.idx.msk [tilespmem:v60+s5+$0x0], $0xffff;
	_ =	sdelay $0x4  }
0x30: {  	v0 =	vadd.f32 v1, v0;
	_ =	sdelay $0x1  }
0x31: {  	v0 =	vsub.f32 $0.0e+00, v0;
	_ =	sdelay $0x1  }
0x32: {  	v0 =	vmul.f32 $1.442695020e+00, v0;
	_ =	sdelay $0x1  }
0x33: {  	(erf) = vpow2.f32 v0;
	_ =	sdelay $0x8  }
0x34: {  	v0 =	vpop (erf)  }
0x35: {  	v0 =	vadd.f32 $1.000000000e+00, v0;
	_ =	sdelay $0x1  }
0x36: {  	(erf) = vrcp.f32 v0;
	_ =	sdelay $0x2  }
0x37: {  	v61 =	vld [tilespmem:$0x820]  }
0x38: {  	v62 =	vld [tilespmem:$0x8A0];
	_ =	sdelay $0x4  }
0x39: {  	v63 =	vpop (erf)  }
0x3a: {  	[tilespmem:$0x910] =	vst v63  }
0x3b: {  	v0 =	vld.idx.msk [tilespmem:v61+s2+$0x0], $0xffff  }
0x3c: {  	v1 =	vld.idx.msk [tilespmem:v62+s5+$0x0], $0xffff;
	_ =	sdelay $0x4  }
0x3d: {  	v0 =	vadd.f32 v1, v0;
	_ =	sdelay $0x1  }
0x3e: {  	v0 =	vsub.f32 $0.0e+00, v0;
	_ =	sdelay $0x1  }
0x3f: {  	v0 =	vmul.f32 $1.442695020e+00, v0;
	_ =	sdelay $0x1  }
0x40: {  	(erf) = vpow2.f32 v0;
	_ =	sdelay $0x8  }
0x41: {  	v0 =	vpop (erf)  }
0x42: {  	v0 =	vadd.f32 $1.000000000e+00, v0;
	_ =	sdelay $0x1  }
0x43: {  	(erf) = vrcp.f32 v0  }
0x44: {  	s12 =	ssub.s32 $0x2, s12  }
0x45: {  	s14 =	sshrl.u32 s12, $0x1  }
0x46: {  	s12 =	ssub.s32 s12, s14  }
0x47: {  	s14 =	smax.u32 s12, $0x1  }
0x48: {  	p0 =	sne.s32 s14, $0x1  }
.Ltmp1:
0x49: {  	_ = 	snop;
	(pc) =	sbr.rel @!p0 .LBB2_3-.Ltmp1, $3  }
0x4a: {  	_ =	sdelay $0x1  }
0x4b: {  	s11 =	sadd.s32 s11, s13;
	v0 =	vpop (erf)  }
0x4c: {  	s13 =	simm.s32 $0x900;
	s12 =	simm.s32 $0x2;
	s14 =	sadd.s32 $0xFFFFFFFF, s14;
	[tilespmem:$0x920] =	vst v0  }
.LBB2_2:
0x4d: {  	[hbm4b:s11+s2] =	stream.linear.scatter [tilespmem:s13], [sflag:$0x2], $0x30, $0x38;
	[tilespmem:$0x980] =	vst v63  }
0x4e: {  	p0 =	sne.s32 s14, $0x1;
	s14 =	sadd.s32 $0xFFFFFFFF, s14;
	_ =	swait.ge [sflag:s12], $0x30  }
0x4f: {  	[sflag:s12] =	ssyncset.done $0x0  }
0x50: {  	[sflag:s12] =	ssyncadd.s32 $0xFFFFFFD0  }
0x51: {  	[tilespmem:s2], [sflag:$0x1] =	stream.linear.gather [hbm4b:s3+s2], $0x400, $0x38;
	[tilespmem:$0x980] =	vst v63  }
0x52: {  	_ = 	snop  }
0x53: {  	[tilespmem:s5], [sflag:$0x1] =	stream.linear.gather [hbm4b:s4+s2], $0x400, $0x38;
	[tilespmem:$0x980] =	vst v63  }
0x54: {  	_ = 	snop  }
0x55: {  	[tilespmem:s7], [sflag:$0x1] =	stream.linear.gather [hbm4b:s6+s2], $0x30, $0x38;
	[tilespmem:$0x980] =	vst v63  }
0x56: {  	_ = 	snop  }
0x57: {  	[tilespmem:s9], [sflag:$0x1] =	stream.linear.gather [hbm4b:s8+s2], $0x30, $0x38;
	[tilespmem:$0x980] =	vst v63  }
0x58: {  	_ =	swait.ge [sflag:s10], $0x400  }
0x59: {  	[sflag:s10] =	ssyncset.done $0x0  }
0x5a: {  	[sflag:s10] =	ssyncadd.s32 $0xFFFFFC00  }
0x5b: {  	_ =	swait.ge [sflag:s10], $0x400  }
0x5c: {  	[sflag:s10] =	ssyncset.done $0x0  }
0x5d: {  	[sflag:s10] =	ssyncadd.s32 $0xFFFFFC00  }
0x5e: {  	_ =	swait.ge [sflag:s10], $0x30  }
0x5f: {  	[sflag:s10] =	ssyncset.done $0x0  }
0x60: {  	[sflag:s10] =	ssyncadd.s32 $0xFFFFFFD0  }
0x61: {  	_ =	swait.ge [sflag:s10], $0x30  }
0x62: {  	[sflag:s10] =	ssyncset.done $0x0  }
0x63: {  	[sflag:s10] =	ssyncadd.s32 $0xFFFFFFD0  }
0x64: {  	v0 =	vld [tilespmem:$0x800]  }
0x65: {  	v1 =	vld [tilespmem:$0x880];
	_ =	sdelay $0x6  }
0x66: {  	v0 =	vld.idx.msk [tilespmem:v0+s2+$0x0], $0xffff  }
0x67: {  	v1 =	vld.idx.msk [tilespmem:v1+s5+$0x0], $0xffff;
	_ =	sdelay $0x5  }
0x68: {  	v0 =	vadd.f32 v1, v0;
	_ =	sdelay $0x1  }
0x69: {  	v0 =	vsub.f32 $0.0e+00, v0;
	_ =	sdelay $0x1  }
0x6a: {  	v0 =	vmul.f32 $1.442695020e+00, v0;
	_ =	sdelay $0x1  }
0x6b: {  	(erf) = vpow2.f32 v0;
	_ =	sdelay $0x8  }
0x6c: {  	v0 =	vpop (erf)  }
0x6d: {  	v0 =	vadd.f32 $1.000000000e+00, v0;
	_ =	sdelay $0x1  }
0x6e: {  	(erf) = vrcp.f32 v0;
	_ =	sdelay $0x1  }
0x6f: {  	v0 =	vld [tilespmem:$0x890]  }
0x70: {  	v1 =	vld [tilespmem:$0x810];
	_ =	sdelay $0x5  }
0x71: {  	v2 =	vpop (erf)  }
0x72: {  	[tilespmem:$0x900] =	vst v2  }
0x73: {  	v1 =	vld.idx.msk [tilespmem:v1+s2+$0x0], $0xffff  }
0x74: {  	v0 =	vld.idx.msk [tilespmem:v0+s5+$0x0], $0xffff;
	_ =	sdelay $0x5  }
0x75: {  	v0 =	vadd.f32 v0, v1;
	_ =	sdelay $0x1  }
0x76: {  	v0 =	vsub.f32 $0.0e+00, v0;
	_ =	sdelay $0x1  }
0x77: {  	v0 =	vmul.f32 $1.442695020e+00, v0;
	_ =	sdelay $0x1  }
0x78: {  	(erf) = vpow2.f32 v0;
	_ =	sdelay $0x8  }
0x79: {  	v0 =	vpop (erf)  }
0x7a: {  	v0 =	vadd.f32 $1.000000000e+00, v0;
	_ =	sdelay $0x1  }
0x7b: {  	(erf) = vrcp.f32 v0;
	_ =	sdelay $0x1  }
0x7c: {  	v0 =	vld [tilespmem:$0x8A0]  }
0x7d: {  	v1 =	vld [tilespmem:$0x820];
	_ =	sdelay $0x5  }
0x7e: {  	v2 =	vpop (erf)  }
0x7f: {  	[tilespmem:$0x910] =	vst v2  }
0x80: {  	v1 =	vld.idx.msk [tilespmem:v1+s2+$0x0], $0xffff  }
0x81: {  	v0 =	vld.idx.msk [tilespmem:v0+s5+$0x0], $0xffff;
	_ =	sdelay $0x5  }
0x82: {  	v0 =	vadd.f32 v0, v1;
	_ =	sdelay $0x1  }
0x83: {  	v0 =	vsub.f32 $0.0e+00, v0;
	_ =	sdelay $0x1  }
0x84: {  	v0 =	vmul.f32 $1.442695020e+00, v0;
	_ =	sdelay $0x1  }
0x85: {  	(erf) = vpow2.f32 v0;
	_ =	sdelay $0x8  }
0x86: {  	v0 =	vpop (erf)  }
0x87: {  	v0 =	vadd.f32 $1.000000000e+00, v0;
	_ =	sdelay $0x1  }
0x88: {  	(erf) = vrcp.f32 v0;
	_ =	sdelay $0x5  }
.Ltmp2:
0x89: {  	(pc) =	sbr.rel @p0 .LBB2_2-.Ltmp2, $3  }
0x8a: {  	_ =	sdelay $0x1  }
0x8b: {  	v0 =	vpop (erf)  }
0x8c: {  	[tilespmem:$0x920] =	vst v0  }
.LBB2_3:
0x8d: {  	[hbm4b:s11+s2] =	stream.linear.scatter [tilespmem:s13], [sflag:$0x2], $0x30, $0x38;
	[tilespmem:$0x980] =	vst v63  }
0x8e: {  	_ =	swait.ge [sflag:s12], $0x30  }
0x8f: {  	[sflag:s12] =	ssyncset.done $0x0  }
0x90: {  	[sflag:s12] =	ssyncadd.s32 $0xFFFFFFD0  }
.LBB2_4:
0x91: {  	_ =	sfence.sel $0x180000  }
0x92: {  	[bflag:$0x0] =	sbarrier.arrive $0xFFFF  }
0x93: {  	p0 =	sne.s32 s1, $0x0;
	_ =	strace $0x90000047  }
0x94: {  	s0 =	sadd.s32 @!p0 $0x100000, s0;
	[bflag:$0x2] =	sbarrier.arrive $0xFFFF  }
0x95: {  	[sflag:s0] =	ssyncadd.tile.s32 @!p0 $0x1;
	_ =	shalt  }
.Lfunc_end2:
_tile_overlayer_lowered:
.L_overlay_start_2:
0x96: {  	(tag) =	ssettag $0x2  }
0x97: {  	s0 =	rddreg [dreg:$0x0];
	s2 =	stileid.u32  }
0x98: {  	s1 =	rddreg [dreg:$0x1];
	p0 =	sne.s32 s2, $0x0  }
0x99: {  	s3 =	rddreg [dreg:$0x2];
	[bflag:$0x3] =	sbarrier.arrive $0xFFFF;
	s2 =	simm.s32 @!p0 $0x1C02  }
0x9a: {  	[timem:s3], [sflag:s2] =	dma.local @!p0 [hbm:s0], s1  }
0x9b: {  	s0 =	simm.s32 @!p0 $0x2  }
0x9c: {  	_ =	swait.ge @!p0 [sflag:s0], s1  }
0x9d: {  	s1 =	ssub.s32 @!p0 $0x0, s1;
	[sflag:s0] =	ssyncset.done @!p0 $0x0  }
0x9e: {  	[sflag:s0] =	ssyncadd.s32 @!p0 s1  }
0x9f: {  	[bflag:$0x3] =	sbarrier.arrive $0xFFFF  }
0xa0: {  	_ =	shalt  }

</sc_bundles>
